<compile_context>
chip_gen: v7x
topology: tpu7x:2x2x1
jax: 0.10.2.dev20260603
libtpu: 0.0.44.dev20260713+nightly
codegen_flags: <defaults>
</compile_context>

<pallas_src>
import functools
import math

import jax
import jax.numpy as jnp
from jax.experimental import pallas as pl
from jax.experimental.pallas import tpu as pltpu
from jax.experimental.pallas import tpu_sc as plsc

SPAT_DIM = 48
TIME_DIM = 48
MAX_N_TIMES = 30000
NUM_CHANNELS = 64

_CPT = 16


def _time_encoding(n_times: int) -> jnp.ndarray:
    position = jnp.arange(n_times, dtype=jnp.float32)[:, None]
    div_term = jnp.exp(
        jnp.arange(0, TIME_DIM, 2, dtype=jnp.float32)
        * (-math.log(MAX_N_TIMES) / TIME_DIM)
    )
    s = jnp.sin(position * div_term)
    c = jnp.cos(position * div_term)
    return jnp.stack([s, c], axis=-1).reshape(n_times, TIME_DIM)


def _sc_gather(table, idx_flat):
    info = plsc.get_sparse_core_info()
    num_workers = info.num_cores * info.num_subcores
    n_idx = idx_flat.shape[0]
    per_w = n_idx // num_workers
    mesh = plsc.VectorSubcoreMesh(core_axis_name="c", subcore_axis_name="s")

    @functools.partial(
        pl.kernel,
        mesh=mesh,
        out_type=jax.ShapeDtypeStruct((n_idx, 128), jnp.float32),
        scratch_types=[
            pltpu.VMEM((per_w,), jnp.int32),
            pltpu.VMEM((per_w, 128), jnp.float32),
            pltpu.SemaphoreType.DMA,
        ],
    )
    def gather_kernel(table_hbm, idx_hbm, out_hbm, idx_v, rows_v, sem):
        wid = jax.lax.axis_index("s") * info.num_cores + jax.lax.axis_index("c")
        base = wid * per_w
        pltpu.sync_copy(idx_hbm.at[pl.ds(base, per_w)], idx_v)
        pltpu.async_copy(table_hbm.at[idx_v], rows_v, sem).wait()
        pltpu.sync_copy(rows_v, out_hbm.at[pl.ds(base, per_w)])

    return gather_kernel(table, idx_flat)


def _encode_kernel(spat_ref, tt_ref, out_ref):
    n_times = tt_ref.shape[1] // _CPT
    out_ref[0, pl.ds(SPAT_DIM, TIME_DIM), :] = tt_ref[:, :]
    cols = jnp.transpose(spat_ref[:, 0:SPAT_DIM])
    lane_iota = jax.lax.broadcasted_iota(jnp.int32, (SPAT_DIM, _CPT), 1)
    for k in range(_CPT):
        col = jnp.sum(
            jnp.where(lane_iota == k, cols, 0.0), axis=1, keepdims=True
        )
        out_ref[0, pl.ds(0, SPAT_DIM), pl.ds(k * n_times, n_times)] = (
            jnp.broadcast_to(col, (SPAT_DIM, n_times))
        )


def kernel(local_features, ch_idxs, W_spat):
    batch_size, n_chans_times, emb_dim = local_features.shape
    _, n_chans = ch_idxs.shape
    n_times = n_chans_times // n_chans
    t_enc = _time_encoding(n_times)
    tt = jnp.tile(t_enc.T, (1, _CPT))

    wpad = jnp.pad(W_spat, ((0, 0), (0, 128 - SPAT_DIM)))
    spat = _sc_gather(wpad, ch_idxs.reshape(-1))

    tiles_per_batch = n_chans // _CPT
    cols = _CPT * n_times
    out_t = pl.pallas_call(
        _encode_kernel,
        grid=(batch_size, tiles_per_batch),
        in_specs=[
            pl.BlockSpec(
                (_CPT, 128),
                lambda b, j: (b * (NUM_CHANNELS // _CPT) + j, 0),
            ),
            pl.BlockSpec((TIME_DIM, cols), lambda b, j: (0, 0)),
        ],
        out_specs=pl.BlockSpec((1, emb_dim, cols), lambda b, j: (b, 0, j)),
        out_shape=jax.ShapeDtypeStruct(
            (batch_size, emb_dim, n_chans_times), jnp.float32
        ),
    )(spat, tt)
    return out_t.transpose(0, 2, 1)

# --- scband reference (transcript-rebuilt; emitter-appended) ---
"""Pipeline reference for scband-pos-encoder-2044404432982 (READ-ONLY COPY).

The authoritative reference and input builder live on the scoring server;
editing this copy changes nothing except your own understanding.
"""

import math
import jax, jax.numpy as jnp
import numpy as np

SPAT_DIM = 48
TIME_DIM = 48
MAX_N_TIMES = 30000  # int(600.0 * 50.0)
NUM_CHANNELS = 64


def _pos_encode_time(n_times, n_dim, max_n_times):
    position = jnp.arange(n_times, dtype=jnp.float32)[:, None]
    div_term = jnp.exp(jnp.arange(0, n_dim, 2, dtype=jnp.float32) * (-math.log(max_n_times) / n_dim))
    s = jnp.sin(position * div_term)
    c = jnp.cos(position * div_term)
    # interleave: even dims = sin, odd dims = cos
    return jnp.stack([s, c], axis=-1).reshape(n_times, n_dim)


def setup_inputs(seed: int = 0) -> dict:
    key = jax.random.key(seed)
    k1, k2, k3 = jax.random.split(key, 3)
    local_features = jax.random.normal(k1, (16, 32768, 96), dtype=jnp.float32)
    ch_idxs = jax.random.randint(k2, (16, 64), 0, NUM_CHANNELS, dtype=jnp.int32)
    # learned channel-embedding table (spatial positional encoding), per init_kwargs:
    # num_embeddings = len(ch_locs) = 64, embedding_dim = spat_dim = 48
    W_spat = jax.random.normal(k3, (NUM_CHANNELS, SPAT_DIM), dtype=jnp.float32)
    return {"local_features": local_features, "ch_idxs": ch_idxs, "W_spat": W_spat}


def reference(local_features, ch_idxs, W_spat):
    batch_size, n_chans_times, emb_dim = local_features.shape
    batch_size_chs, n_chans = ch_idxs.shape
    n_times = n_chans_times // n_chans
    # spatial encoding: embedding gather, broadcast over time
    spat = jnp.take(W_spat, ch_idxs, axis=0)  # (B, C, spat_dim)
    spat = jnp.broadcast_to(spat[:, :, None, :], (batch_size_chs, n_chans, n_times, SPAT_DIM))
    # temporal encoding: broadcast over batch and channels
    t_enc = _pos_encode_time(n_times, TIME_DIM, MAX_N_TIMES)  # (T, time_dim)
    t_enc = jnp.broadcast_to(t_enc[None, None, :, :], (batch_size_chs, n_chans, n_times, TIME_DIM))
    # emb_dim == spat_dim + time_dim == 96, so the output is fully determined
    pos_encoding = jnp.concatenate([spat, t_enc], axis=-1)
    return pos_encoding.reshape(batch_size, n_chans_times, emb_dim)

if __name__ == "__main__":
    import jax
    _d = setup_inputs()
    print(jax.jit(kernel)(*tuple(_d.values())))

</pallas_src>

<mosaic_0001>
#map = affine_map<(d0, d1) -> (0, 0)>
#map1 = affine_map<(d0, d1) -> (0)>
module attributes {stable_mosaic.version = 14 : i64} {
  func.func @gather_kernel(%arg0: i32, %arg1: i32, %arg2: memref<64x128xf32, #tpu.memory_space<hbm>>, %arg3: memref<1024xi32, #tpu.memory_space<hbm>>, %arg4: memref<1024x128xf32, #tpu.memory_space<hbm>>, %arg5: memref<32xi32, #tpu.memory_space<vmem>>, %arg6: memref<32x128xf32, #tpu.memory_space<vmem>>, %arg7: memref<!tpu.dma_semaphore, #tpu.memory_space<semaphore_mem>>) attributes {dimension_semantics = [#tpu.dimension_semantics<core_parallel>, #tpu.dimension_semantics<subcore_parallel>], iteration_bounds = array<i64: 2, 16>, scalar_prefetch = 0 : i64, scratch_operands = 3 : i64, tpu.core_type = #tpu.core_type<sc_vector_subcore>, window_params = [{transform_indices = #map}, {transform_indices = #map1}, {transform_indices = #map}]} {
    %mul3A = arith.constant 2 : i32
    %mul3A_0 = arith.muli %arg1, %mul3A : i32
    %add3A = arith.addi %mul3A_0, %arg0 : i32
    %mul3A_1 = arith.constant 32 : i32
    %mul3A_2 = arith.muli %add3A, %mul3A_1 : i32
    "tpu.region"() ({
      %run_scoped3A = tpu.sem_alloc : memref<!tpu.dma_semaphore, #tpu.memory_space<semaphore_mem>>
      %dma_start3A_7 = tpu.memref_slice %arg3[%mul3A_2] : memref<1024xi32, #tpu.memory_space<hbm>> -> memref<32xi32, #tpu.memory_space<hbm>>
      %dma_start3A_8 = tpu.memref_slice %arg3[%mul3A_2] : memref<1024xi32, #tpu.memory_space<hbm>> -> memref<32xi32, #tpu.memory_space<hbm>>
      tpu.enqueue_dma source(%dma_start3A_8 : memref<32xi32, #tpu.memory_space<hbm>>) target(%arg5 : memref<32xi32, #tpu.memory_space<vmem>>) target_semaphore(%run_scoped3A : memref<!tpu.dma_semaphore, #tpu.memory_space<semaphore_mem>>)
      %dma_wait3A_9 = tpu.memref_slice %arg3[%mul3A_2] : memref<1024xi32, #tpu.memory_space<hbm>> -> memref<32xi32, #tpu.memory_space<hbm>>
      %dma_wait3A_10 = tpu.memref_slice %arg3[%mul3A_2] : memref<1024xi32, #tpu.memory_space<hbm>> -> memref<32xi32, #tpu.memory_space<hbm>>
      tpu.wait_dma2 semaphore(%run_scoped3A : memref<!tpu.dma_semaphore, #tpu.memory_space<semaphore_mem>>) src(%dma_wait3A_10 : memref<32xi32, #tpu.memory_space<hbm>>) dst(%arg5 : memref<32xi32, #tpu.memory_space<vmem>>)
      tpu.yield
    }) : () -> ()
    %dma_start3A = arith.constant 0 : i32
    %dma_start3A_3 = arith.constant 0 : i32
    %dma_start3A_4 = tpu.memref_slice %arg2[%dma_start3A, %dma_start3A_3] : memref<64x128xf32, #tpu.memory_space<hbm>> -> memref<64x128xf32, #tpu.memory_space<hbm>>
    tpu.enqueue_indirect_dma source(%dma_start3A_4 : memref<64x128xf32, #tpu.memory_space<hbm>>) target(%arg6 : memref<32x128xf32, #tpu.memory_space<vmem>>) offsets(%arg5 : memref<32xi32, #tpu.memory_space<vmem>>) semaphore(%arg7 : memref<!tpu.dma_semaphore, #tpu.memory_space<semaphore_mem>>)
    %dma_wait3A = arith.constant 0 : i32
    %dma_wait3A_5 = arith.constant 0 : i32
    %dma_wait3A_6 = tpu.memref_slice %arg2[%dma_wait3A, %dma_wait3A_5] : memref<64x128xf32, #tpu.memory_space<hbm>> -> memref<64x128xf32, #tpu.memory_space<hbm>>
    tpu.wait_indirect_dma semaphore(%arg7 : memref<!tpu.dma_semaphore, #tpu.memory_space<semaphore_mem>>) src(%dma_wait3A_6 : memref<64x128xf32, #tpu.memory_space<hbm>>) dst(%arg6 : memref<32x128xf32, #tpu.memory_space<vmem>>)
    "tpu.region"() ({
      %run_scoped3A = tpu.sem_alloc : memref<!tpu.dma_semaphore, #tpu.memory_space<semaphore_mem>>
      %dma_start3A_7 = arith.constant 0 : i32
      %dma_start3A_8 = tpu.memref_slice %arg4[%mul3A_2, %dma_start3A_7] : memref<1024x128xf32, #tpu.memory_space<hbm>> -> memref<32x128xf32, #tpu.memory_space<hbm>>
      %dma_start3A_9 = arith.constant 0 : i32
      %dma_start3A_10 = tpu.memref_slice %arg4[%mul3A_2, %dma_start3A_9] : memref<1024x128xf32, #tpu.memory_space<hbm>> -> memref<32x128xf32, #tpu.memory_space<hbm>>
      tpu.enqueue_dma source(%arg6 : memref<32x128xf32, #tpu.memory_space<vmem>>) target(%dma_start3A_10 : memref<32x128xf32, #tpu.memory_space<hbm>>) target_semaphore(%run_scoped3A : memref<!tpu.dma_semaphore, #tpu.memory_space<semaphore_mem>>)
      %dma_wait3A_11 = arith.constant 0 : i32
      %dma_wait3A_12 = tpu.memref_slice %arg4[%mul3A_2, %dma_wait3A_11] : memref<1024x128xf32, #tpu.memory_space<hbm>> -> memref<32x128xf32, #tpu.memory_space<hbm>>
      %dma_wait3A_13 = arith.constant 0 : i32
      %dma_wait3A_14 = tpu.memref_slice %arg4[%mul3A_2, %dma_wait3A_13] : memref<1024x128xf32, #tpu.memory_space<hbm>> -> memref<32x128xf32, #tpu.memory_space<hbm>>
      tpu.wait_dma2 semaphore(%run_scoped3A : memref<!tpu.dma_semaphore, #tpu.memory_space<semaphore_mem>>) src(%arg6 : memref<32x128xf32, #tpu.memory_space<vmem>>) dst(%dma_wait3A_14 : memref<32x128xf32, #tpu.memory_space<hbm>>)
      tpu.yield
    }) : () -> ()
    return
  }
}

module attributes {stable_mosaic.version = 14 : i64} {
  func.func @_encode_kernel(%arg0: i32, %arg1: i32, %arg2: memref<16x128xf32, #tpu.memory_space<vmem>>, %arg3: memref<48x8192xf32, #tpu.memory_space<vmem>>, %arg4: memref<1x96x8192xf32, #tpu.memory_space<vmem>>) attributes {dimension_semantics = [#tpu.dimension_semantics<arbitrary>, #tpu.dimension_semantics<arbitrary>], iteration_bounds = array<i64: 16, 4>, scalar_prefetch = 0 : i64, scratch_operands = 0 : i64, tpu.core_type = #tpu.core_type<tc>, window_params = [{transform_indices = @transform_0, window_bounds = array<i64: 16, 128>}, {pipeline_mode = #tpu.pipeline_mode<synchronous>, transform_indices = @transform_1, window_bounds = array<i64: 48, 8192>}, {transform_indices = @transform_2, window_bounds = array<i64: 1, 96, 8192>}]} {
    %get3A = arith.constant 0 : index
    %get3A_0 = arith.constant 0 : index
    %get3A_1 = vector.load %arg3[%get3A, %get3A_0] : memref<48x8192xf32, #tpu.memory_space<vmem>>, vector<48x8192xf32>
    %swap3A = arith.constant 0 : index
    %swap3A_2 = arith.constant 48 : index
    %swap3A_3 = arith.constant 0 : index
    %swap3A_4 = vector.load %arg4[%swap3A, %swap3A_2, %swap3A_3] : memref<1x96x8192xf32, #tpu.memory_space<vmem>>, vector<1x48x8192xf32>
    %swap3A_5 = vector.shape_cast %swap3A_4 : vector<1x48x8192xf32> to vector<48x8192xf32>
    %swap3A_6 = vector.shape_cast %get3A_1 : vector<48x8192xf32> to vector<1x48x8192xf32>
    tpu.vector_store %arg4[%swap3A, %swap3A_2, %swap3A_3], %swap3A_6 {strides = array<i32>} : memref<1x96x8192xf32, #tpu.memory_space<vmem>>, vector<1x48x8192xf32>,
    %get3A_7 = arith.constant 0 : index
    %get3A_8 = arith.constant 0 : index
    %get3A_9 = vector.load %arg2[%get3A_7, %get3A_8] : memref<16x128xf32, #tpu.memory_space<vmem>>, vector<16x48xf32>
    %transpose3A = tpu.transpose %get3A_9, [1, 0] : vector<16x48xf32> -> vector<48x16xf32>
    %iota3A = tpu.iota {dimensions = array<i32: 1>} : vector<48x16xi32>
    %eq3A = arith.constant 0 : i32
    %eq3A_10 = vector.broadcast %eq3A : i32 to vector<48x16xi32>
    %eq3A_11 = arith.cmpi eq, %iota3A, %eq3A_10 : vector<48x16xi32>
    %jit3A = arith.constant 0.000000e+00 : f32
    %broadcast_in_dim3A = vector.broadcast %jit3A : f32 to vector<48x16xf32>
    %select_n3A = arith.select %eq3A_11, %transpose3A, %broadcast_in_dim3A : vector<48x16xi1>, vector<48x16xf32>
    %reduce_sum3A = arith.constant dense<0.000000e+00> : vector<48xf32>
    %reduce_sum3A_12 = vector.multi_reduction <add>, %select_n3A, %reduce_sum3A [1] : vector<48x16xf32> to vector<48xf32>
    %broadcast_in_dim3A_13 = vector.shape_cast %reduce_sum3A_12 : vector<48xf32> to vector<48x1xf32>
    %broadcast_in_dim3A_14 = vector.shape_cast %broadcast_in_dim3A_13 : vector<48x1xf32> to vector<48x1xf32>
    %broadcast_in_dim3A_15 = vector.broadcast %broadcast_in_dim3A_14 : vector<48x1xf32> to vector<48x512xf32>
    %swap3A_16 = arith.constant 0 : index
    %swap3A_17 = arith.constant 0 : index
    %swap3A_18 = arith.constant 0 : index
    %swap3A_19 = vector.load %arg4[%swap3A_16, %swap3A_17, %swap3A_18] : memref<1x96x8192xf32, #tpu.memory_space<vmem>>, vector<1x48x512xf32>
    %swap3A_20 = vector.shape_cast %swap3A_19 : vector<1x48x512xf32> to vector<48x512xf32>
    %swap3A_21 = vector.shape_cast %broadcast_in_dim3A_15 : vector<48x512xf32> to vector<1x48x512xf32>
    tpu.vector_store %arg4[%swap3A_16, %swap3A_17, %swap3A_18], %swap3A_21 {strides = array<i32>} : memref<1x96x8192xf32, #tpu.memory_space<vmem>>, vector<1x48x512xf32>,
    %eq3A_22 = arith.constant 1 : i32
    %eq3A_23 = vector.broadcast %eq3A_22 : i32 to vector<48x16xi32>
    %eq3A_24 = arith.cmpi eq, %iota3A, %eq3A_23 : vector<48x16xi32>
    %jit3A_25 = arith.constant 0.000000e+00 : f32
    %broadcast_in_dim3A_26 = vector.broadcast %jit3A_25 : f32 to vector<48x16xf32>
    %select_n3A_27 = arith.select %eq3A_24, %transpose3A, %broadcast_in_dim3A_26 : vector<48x16xi1>, vector<48x16xf32>
    %reduce_sum3A_28 = arith.constant dense<0.000000e+00> : vector<48xf32>
    %reduce_sum3A_29 = vector.multi_reduction <add>, %select_n3A_27, %reduce_sum3A_28 [1] : vector<48x16xf32> to vector<48xf32>
    %broadcast_in_dim3A_30 = vector.shape_cast %reduce_sum3A_29 : vector<48xf32> to vector<48x1xf32>
    %broadcast_in_dim3A_31 = vector.shape_cast %broadcast_in_dim3A_30 : vector<48x1xf32> to vector<48x1xf32>
    %broadcast_in_dim3A_32 = vector.broadcast %broadcast_in_dim3A_31 : vector<48x1xf32> to vector<48x512xf32>
    %swap3A_33 = arith.constant 0 : index
    %swap3A_34 = arith.constant 0 : index
    %swap3A_35 = arith.constant 512 : index
    %swap3A_36 = vector.load %arg4[%swap3A_33, %swap3A_34, %swap3A_35] : memref<1x96x8192xf32, #tpu.memory_space<vmem>>, vector<1x48x512xf32>
    %swap3A_37 = vector.shape_cast %swap3A_36 : vector<1x48x512xf32> to vector<48x512xf32>
    %swap3A_38 = vector.shape_cast %broadcast_in_dim3A_32 : vector<48x512xf32> to vector<1x48x512xf32>
    tpu.vector_store %arg4[%swap3A_33, %swap3A_34, %swap3A_35], %swap3A_38 {strides = array<i32>} : memref<1x96x8192xf32, #tpu.memory_space<vmem>>, vector<1x48x512xf32>,
    %eq3A_39 = arith.constant 2 : i32
    %eq3A_40 = vector.broadcast %eq3A_39 : i32 to vector<48x16xi32>
    %eq3A_41 = arith.cmpi eq, %iota3A, %eq3A_40 : vector<48x16xi32>
    %jit3A_42 = arith.constant 0.000000e+00 : f32
    %broadcast_in_dim3A_43 = vector.broadcast %jit3A_42 : f32 to vector<48x16xf32>
    %select_n3A_44 = arith.select %eq3A_41, %transpose3A, %broadcast_in_dim3A_43 : vector<48x16xi1>, vector<48x16xf32>
    %reduce_sum3A_45 = arith.constant dense<0.000000e+00> : vector<48xf32>
    %reduce_sum3A_46 = vector.multi_reduction <add>, %select_n3A_44, %reduce_sum3A_45 [1] : vector<48x16xf32> to vector<48xf32>
    %broadcast_in_dim3A_47 = vector.shape_cast %reduce_sum3A_46 : vector<48xf32> to vector<48x1xf32>
    %broadcast_in_dim3A_48 = vector.shape_cast %broadcast_in_dim3A_47 : vector<48x1xf32> to vector<48x1xf32>
    %broadcast_in_dim3A_49 = vector.broadcast %broadcast_in_dim3A_48 : vector<48x1xf32> to vector<48x512xf32>
    %swap3A_50 = arith.constant 0 : index
    %swap3A_51 = arith.constant 0 : index
    %swap3A_52 = arith.constant 1024 : index
    %swap3A_53 = vector.load %arg4[%swap3A_50, %swap3A_51, %swap3A_52] : memref<1x96x8192xf32, #tpu.memory_space<vmem>>, vector<1x48x512xf32>
    %swap3A_54 = vector.shape_cast %swap3A_53 : vector<1x48x512xf32> to vector<48x512xf32>
    %swap3A_55 = vector.shape_cast %broadcast_in_dim3A_49 : vector<48x512xf32> to vector<1x48x512xf32>
    tpu.vector_store %arg4[%swap3A_50, %swap3A_51, %swap3A_52], %swap3A_55 {strides = array<i32>} : memref<1x96x8192xf32, #tpu.memory_space<vmem>>, vector<1x48x512xf32>,
    %eq3A_56 = arith.constant 3 : i32
    %eq3A_57 = vector.broadcast %eq3A_56 : i32 to vector<48x16xi32>
    %eq3A_58 = arith.cmpi eq, %iota3A, %eq3A_57 : vector<48x16xi32>
    %jit3A_59 = arith.constant 0.000000e+00 : f32
    %broadcast_in_dim3A_60 = vector.broadcast %jit3A_59 : f32 to vector<48x16xf32>
    %select_n3A_61 = arith.select %eq3A_58, %transpose3A, %broadcast_in_dim3A_60 : vector<48x16xi1>, vector<48x16xf32>
    %reduce_sum3A_62 = arith.constant dense<0.000000e+00> : vector<48xf32>
    %reduce_sum3A_63 = vector.multi_reduction <add>, %select_n3A_61, %reduce_sum3A_62 [1] : vector<48x16xf32> to vector<48xf32>
    %broadcast_in_dim3A_64 = vector.shape_cast %reduce_sum3A_63 : vector<48xf32> to vector<48x1xf32>
    %broadcast_in_dim3A_65 = vector.shape_cast %broadcast_in_dim3A_64 : vector<48x1xf32> to vector<48x1xf32>
    %broadcast_in_dim3A_66 = vector.broadcast %broadcast_in_dim3A_65 : vector<48x1xf32> to vector<48x512xf32>
    %swap3A_67 = arith.constant 0 : index
    %swap3A_68 = arith.constant 0 : index
    %swap3A_69 = arith.constant 1536 : index
    %swap3A_70 = vector.load %arg4[%swap3A_67, %swap3A_68, %swap3A_69] : memref<1x96x8192xf32, #tpu.memory_space<vmem>>, vector<1x48x512xf32>
    %swap3A_71 = vector.shape_cast %swap3A_70 : vector<1x48x512xf32> to vector<48x512xf32>
    %swap3A_72 = vector.shape_cast %broadcast_in_dim3A_66 : vector<48x512xf32> to vector<1x48x512xf32>
    tpu.vector_store %arg4[%swap3A_67, %swap3A_68, %swap3A_69], %swap3A_72 {strides = array<i32>} : memref<1x96x8192xf32, #tpu.memory_space<vmem>>, vector<1x48x512xf32>,
    %eq3A_73 = arith.constant 4 : i32
    %eq3A_74 = vector.broadcast %eq3A_73 : i32 to vector<48x16xi32>
    %eq3A_75 = arith.cmpi eq, %iota3A, %eq3A_74 : vector<48x16xi32>
    %jit3A_76 = arith.constant 0.000000e+00 : f32
    %broadcast_in_dim3A_77 = vector.broadcast %jit3A_76 : f32 to vector<48x16xf32>
    %select_n3A_78 = arith.select %eq3A_75, %transpose3A, %broadcast_in_dim3A_77 : vector<48x16xi1>, vector<48x16xf32>
    %reduce_sum3A_79 = arith.constant dense<0.000000e+00> : vector<48xf32>
    %reduce_sum3A_80 = vector.multi_reduction <add>, %select_n3A_78, %reduce_sum3A_79 [1] : vector<48x16xf32> to vector<48xf32>
    %broadcast_in_dim3A_81 = vector.shape_cast %reduce_sum3A_80 : vector<48xf32> to vector<48x1xf32>
    %broadcast_in_dim3A_82 = vector.shape_cast %broadcast_in_dim3A_81 : vector<48x1xf32> to vector<48x1xf32>
    %broadcast_in_dim3A_83 = vector.broadcast %broadcast_in_dim3A_82 : vector<48x1xf32> to vector<48x512xf32>
    %swap3A_84 = arith.constant 0 : index
    %swap3A_85 = arith.constant 0 : index
    %swap3A_86 = arith.constant 2048 : index
    %swap3A_87 = vector.load %arg4[%swap3A_84, %swap3A_85, %swap3A_86] : memref<1x96x8192xf32, #tpu.memory_space<vmem>>, vector<1x48x512xf32>
    %swap3A_88 = vector.shape_cast %swap3A_87 : vector<1x48x512xf32> to vector<48x512xf32>
    %swap3A_89 = vector.shape_cast %broadcast_in_dim3A_83 : vector<48x512xf32> to vector<1x48x512xf32>
    tpu.vector_store %arg4[%swap3A_84, %swap3A_85, %swap3A_86], %swap3A_89 {strides = array<i32>} : memref<1x96x8192xf32, #tpu.memory_space<vmem>>, vector<1x48x512xf32>,
    %eq3A_90 = arith.constant 5 : i32
    %eq3A_91 = vector.broadcast %eq3A_90 : i32 to vector<48x16xi32>
    %eq3A_92 = arith.cmpi eq, %iota3A, %eq3A_91 : vector<48x16xi32>
    %jit3A_93 = arith.constant 0.000000e+00 : f32
    %broadcast_in_dim3A_94 = vector.broadcast %jit3A_93 : f32 to vector<48x16xf32>
    %select_n3A_95 = arith.select %eq3A_92, %transpose3A, %broadcast_in_dim3A_94 : vector<48x16xi1>, vector<48x16xf32>
    %reduce_sum3A_96 = arith.constant dense<0.000000e+00> : vector<48xf32>
    %reduce_sum3A_97 = vector.multi_reduction <add>, %select_n3A_95, %reduce_sum3A_96 [1] : vector<48x16xf32> to vector<48xf32>
    %broadcast_in_dim3A_98 = vector.shape_cast %reduce_sum3A_97 : vector<48xf32> to vector<48x1xf32>
    %broadcast_in_dim3A_99 = vector.shape_cast %broadcast_in_dim3A_98 : vector<48x1xf32> to vector<48x1xf32>
    %broadcast_in_dim3A_100 = vector.broadcast %broadcast_in_dim3A_99 : vector<48x1xf32> to vector<48x512xf32>
    %swap3A_101 = arith.constant 0 : index
    %swap3A_102 = arith.constant 0 : index
    %swap3A_103 = arith.constant 2560 : index
    %swap3A_104 = vector.load %arg4[%swap3A_101, %swap3A_102, %swap3A_103] : memref<1x96x8192xf32, #tpu.memory_space<vmem>>, vector<1x48x512xf32>
    %swap3A_105 = vector.shape_cast %swap3A_104 : vector<1x48x512xf32> to vector<48x512xf32>
    %swap3A_106 = vector.shape_cast %broadcast_in_dim3A_100 : vector<48x512xf32> to vector<1x48x512xf32>
    tpu.vector_store %arg4[%swap3A_101, %swap3A_102, %swap3A_103], %swap3A_106 {strides = array<i32>} : memref<1x96x8192xf32, #tpu.memory_space<vmem>>, vector<1x48x512xf32>,
    %eq3A_107 = arith.constant 6 : i32
    %eq3A_108 = vector.broadcast %eq3A_107 : i32 to vector<48x16xi32>
    %eq3A_109 = arith.cmpi eq, %iota3A, %eq3A_108 : vector<48x16xi32>
    %jit3A_110 = arith.constant 0.000000e+00 : f32
    %broadcast_in_dim3A_111 = vector.broadcast %jit3A_110 : f32 to vector<48x16xf32>
    %select_n3A_112 = arith.select %eq3A_109, %transpose3A, %broadcast_in_dim3A_111 : vector<48x16xi1>, vector<48x16xf32>
    %reduce_sum3A_113 = arith.constant dense<0.000000e+00> : vector<48xf32>
    %reduce_sum3A_114 = vector.multi_reduction <add>, %select_n3A_112, %reduce_sum3A_113 [1] : vector<48x16xf32> to vector<48xf32>
    %broadcast_in_dim3A_115 = vector.shape_cast %reduce_sum3A_114 : vector<48xf32> to vector<48x1xf32>
    %broadcast_in_dim3A_116 = vector.shape_cast %broadcast_in_dim3A_115 : vector<48x1xf32> to vector<48x1xf32>
    %broadcast_in_dim3A_117 = vector.broadcast %broadcast_in_dim3A_116 : vector<48x1xf32> to vector<48x512xf32>
    %swap3A_118 = arith.constant 0 : index
    %swap3A_119 = arith.constant 0 : index
    %swap3A_120 = arith.constant 3072 : index
    %swap3A_121 = vector.load %arg4[%swap3A_118, %swap3A_119, %swap3A_120] : memref<1x96x8192xf32, #tpu.memory_space<vmem>>, vector<1x48x512xf32>
    %swap3A_122 = vector.shape_cast %swap3A_121 : vector<1x48x512xf32> to vector<48x512xf32>
    %swap3A_123 = vector.shape_cast %broadcast_in_dim3A_117 : vector<48x512xf32> to vector<1x48x512xf32>
    tpu.vector_store %arg4[%swap3A_118, %swap3A_119, %swap3A_120], %swap3A_123 {strides = array<i32>} : memref<1x96x8192xf32, #tpu.memory_space<vmem>>, vector<1x48x512xf32>,
    %eq3A_124 = arith.constant 7 : i32
    %eq3A_125 = vector.broadcast %eq3A_124 : i32 to vector<48x16xi32>
    %eq3A_126 = arith.cmpi eq, %iota3A, %eq3A_125 : vector<48x16xi32>
    %jit3A_127 = arith.constant 0.000000e+00 : f32
    %broadcast_in_dim3A_128 = vector.broadcast %jit3A_127 : f32 to vector<48x16xf32>
    %select_n3A_129 = arith.select %eq3A_126, %transpose3A, %broadcast_in_dim3A_128 : vector<48x16xi1>, vector<48x16xf32>
    %reduce_sum3A_130 = arith.constant dense<0.000000e+00> : vector<48xf32>
    %reduce_sum3A_131 = vector.multi_reduction <add>, %select_n3A_129, %reduce_sum3A_130 [1] : vector<48x16xf32> to vector<48xf32>
    %broadcast_in_dim3A_132 = vector.shape_cast %reduce_sum3A_131 : vector<48xf32> to vector<48x1xf32>
    %broadcast_in_dim3A_133 = vector.shape_cast %broadcast_in_dim3A_132 : vector<48x1xf32> to vector<48x1xf32>
    %broadcast_in_dim3A_134 = vector.broadcast %broadcast_in_dim3A_133 : vector<48x1xf32> to vector<48x512xf32>
    %swap3A_135 = arith.constant 0 : index
    %swap3A_136 = arith.constant 0 : index
    %swap3A_137 = arith.constant 3584 : index
    %swap3A_138 = vector.load %arg4[%swap3A_135, %swap3A_136, %swap3A_137] : memref<1x96x8192xf32, #tpu.memory_space<vmem>>, vector<1x48x512xf32>
    %swap3A_139 = vector.shape_cast %swap3A_138 : vector<1x48x512xf32> to vector<48x512xf32>
    %swap3A_140 = vector.shape_cast %broadcast_in_dim3A_134 : vector<48x512xf32> to vector<1x48x512xf32>
    tpu.vector_store %arg4[%swap3A_135, %swap3A_136, %swap3A_137], %swap3A_140 {strides = array<i32>} : memref<1x96x8192xf32, #tpu.memory_space<vmem>>, vector<1x48x512xf32>,
    %eq3A_141 = arith.constant 8 : i32
    %eq3A_142 = vector.broadcast %eq3A_141 : i32 to vector<48x16xi32>
    %eq3A_143 = arith.cmpi eq, %iota3A, %eq3A_142 : vector<48x16xi32>
    %jit3A_144 = arith.constant 0.000000e+00 : f32
    %broadcast_in_dim3A_145 = vector.broadcast %jit3A_144 : f32 to vector<48x16xf32>
    %select_n3A_146 = arith.select %eq3A_143, %transpose3A, %broadcast_in_dim3A_145 : vector<48x16xi1>, vector<48x16xf32>
    %reduce_sum3A_147 = arith.constant dense<0.000000e+00> : vector<48xf32>
    %reduce_sum3A_148 = vector.multi_reduction <add>, %select_n3A_146, %reduce_sum3A_147 [1] : vector<48x16xf32> to vector<48xf32>
    %broadcast_in_dim3A_149 = vector.shape_cast %reduce_sum3A_148 : vector<48xf32> to vector<48x1xf32>
    %broadcast_in_dim3A_150 = vector.shape_cast %broadcast_in_dim3A_149 : vector<48x1xf32> to vector<48x1xf32>
    %broadcast_in_dim3A_151 = vector.broadcast %broadcast_in_dim3A_150 : vector<48x1xf32> to vector<48x512xf32>
    %swap3A_152 = arith.constant 0 : index
    %swap3A_153 = arith.constant 0 : index
    %swap3A_154 = arith.constant 4096 : index
    %swap3A_155 = vector.load %arg4[%swap3A_152, %swap3A_153, %swap3A_154] : memref<1x96x8192xf32, #tpu.memory_space<vmem>>, vector<1x48x512xf32>
    %swap3A_156 = vector.shape_cast %swap3A_155 : vector<1x48x512xf32> to vector<48x512xf32>
    %swap3A_157 = vector.shape_cast %broadcast_in_dim3A_151 : vector<48x512xf32> to vector<1x48x512xf32>
    tpu.vector_store %arg4[%swap3A_152, %swap3A_153, %swap3A_154], %swap3A_157 {strides = array<i32>} : memref<1x96x8192xf32, #tpu.memory_space<vmem>>, vector<1x48x512xf32>,
    %eq3A_158 = arith.constant 9 : i32
    %eq3A_159 = vector.broadcast %eq3A_158 : i32 to vector<48x16xi32>
    %eq3A_160 = arith.cmpi eq, %iota3A, %eq3A_159 : vector<48x16xi32>
    %jit3A_161 = arith.constant 0.000000e+00 : f32
    %broadcast_in_dim3A_162 = vector.broadcast %jit3A_161 : f32 to vector<48x16xf32>
    %select_n3A_163 = arith.select %eq3A_160, %transpose3A, %broadcast_in_dim3A_162 : vector<48x16xi1>, vector<48x16xf32>
    %reduce_sum3A_164 = arith.constant dense<0.000000e+00> : vector<48xf32>
    %reduce_sum3A_165 = vector.multi_reduction <add>, %select_n3A_163, %reduce_sum3A_164 [1] : vector<48x16xf32> to vector<48xf32>
    %broadcast_in_dim3A_166 = vector.shape_cast %reduce_sum3A_165 : vector<48xf32> to vector<48x1xf32>
    %broadcast_in_dim3A_167 = vector.shape_cast %broadcast_in_dim3A_166 : vector<48x1xf32> to vector<48x1xf32>
    %broadcast_in_dim3A_168 = vector.broadcast %broadcast_in_dim3A_167 : vector<48x1xf32> to vector<48x512xf32>
    %swap3A_169 = arith.constant 0 : index
    %swap3A_170 = arith.constant 0 : index
    %swap3A_171 = arith.constant 4608 : index
    %swap3A_172 = vector.load %arg4[%swap3A_169, %swap3A_170, %swap3A_171] : memref<1x96x8192xf32, #tpu.memory_space<vmem>>, vector<1x48x512xf32>
    %swap3A_173 = vector.shape_cast %swap3A_172 : vector<1x48x512xf32> to vector<48x512xf32>
    %swap3A_174 = vector.shape_cast %broadcast_in_dim3A_168 : vector<48x512xf32> to vector<1x48x512xf32>
    tpu.vector_store %arg4[%swap3A_169, %swap3A_170, %swap3A_171], %swap3A_174 {strides = array<i32>} : memref<1x96x8192xf32, #tpu.memory_space<vmem>>, vector<1x48x512xf32>,
    %eq3A_175 = arith.constant 10 : i32
    %eq3A_176 = vector.broadcast %eq3A_175 : i32 to vector<48x16xi32>
    %eq3A_177 = arith.cmpi eq, %iota3A, %eq3A_176 : vector<48x16xi32>
    %jit3A_178 = arith.constant 0.000000e+00 : f32
    %broadcast_in_dim3A_179 = vector.broadcast %jit3A_178 : f32 to vector<48x16xf32>
    %select_n3A_180 = arith.select %eq3A_177, %transpose3A, %broadcast_in_dim3A_179 : vector<48x16xi1>, vector<48x16xf32>
    %reduce_sum3A_181 = arith.constant dense<0.000000e+00> : vector<48xf32>
    %reduce_sum3A_182 = vector.multi_reduction <add>, %select_n3A_180, %reduce_sum3A_181 [1] : vector<48x16xf32> to vector<48xf32>
    %broadcast_in_dim3A_183 = vector.shape_cast %reduce_sum3A_182 : vector<48xf32> to vector<48x1xf32>
    %broadcast_in_dim3A_184 = vector.shape_cast %broadcast_in_dim3A_183 : vector<48x1xf32> to vector<48x1xf32>
    %broadcast_in_dim3A_185 = vector.broadcast %broadcast_in_dim3A_184 : vector<48x1xf32> to vector<48x512xf32>
    %swap3A_186 = arith.constant 0 : index
    %swap3A_187 = arith.constant 0 : index
    %swap3A_188 = arith.constant 5120 : index
    %swap3A_189 = vector.load %arg4[%swap3A_186, %swap3A_187, %swap3A_188] : memref<1x96x8192xf32, #tpu.memory_space<vmem>>, vector<1x48x512xf32>
    %swap3A_190 = vector.shape_cast %swap3A_189 : vector<1x48x512xf32> to vector<48x512xf32>
    %swap3A_191 = vector.shape_cast %broadcast_in_dim3A_185 : vector<48x512xf32> to vector<1x48x512xf32>
    tpu.vector_store %arg4[%swap3A_186, %swap3A_187, %swap3A_188], %swap3A_191 {strides = array<i32>} : memref<1x96x8192xf32, #tpu.memory_space<vmem>>, vector<1x48x512xf32>,
    %eq3A_192 = arith.constant 11 : i32
    %eq3A_193 = vector.broadcast %eq3A_192 : i32 to vector<48x16xi32>
    %eq3A_194 = arith.cmpi eq, %iota3A, %eq3A_193 : vector<48x16xi32>
    %jit3A_195 = arith.constant 0.000000e+00 : f32
    %broadcast_in_dim3A_196 = vector.broadcast %jit3A_195 : f32 to vector<48x16xf32>
    %select_n3A_197 = arith.select %eq3A_194, %transpose3A, %broadcast_in_dim3A_196 : vector<48x16xi1>, vector<48x16xf32>
    %reduce_sum3A_198 = arith.constant dense<0.000000e+00> : vector<48xf32>
    %reduce_sum3A_199 = vector.multi_reduction <add>, %select_n3A_197, %reduce_sum3A_198 [1] : vector<48x16xf32> to vector<48xf32>
    %broadcast_in_dim3A_200 = vector.shape_cast %reduce_sum3A_199 : vector<48xf32> to vector<48x1xf32>
    %broadcast_in_dim3A_201 = vector.shape_cast %broadcast_in_dim3A_200 : vector<48x1xf32> to vector<48x1xf32>
    %broadcast_in_dim3A_202 = vector.broadcast %broadcast_in_dim3A_201 : vector<48x1xf32> to vector<48x512xf32>
    %swap3A_203 = arith.constant 0 : index
    %swap3A_204 = arith.constant 0 : index
    %swap3A_205 = arith.constant 5632 : index
    %swap3A_206 = vector.load %arg4[%swap3A_203, %swap3A_204, %swap3A_205] : memref<1x96x8192xf32, #tpu.memory_space<vmem>>, vector<1x48x512xf32>
    %swap3A_207 = vector.shape_cast %swap3A_206 : vector<1x48x512xf32> to vector<48x512xf32>
    %swap3A_208 = vector.shape_cast %broadcast_in_dim3A_202 : vector<48x512xf32> to vector<1x48x512xf32>
    tpu.vector_store %arg4[%swap3A_203, %swap3A_204, %swap3A_205], %swap3A_208 {strides = array<i32>} : memref<1x96x8192xf32, #tpu.memory_space<vmem>>, vector<1x48x512xf32>,
    %eq3A_209 = arith.constant 12 : i32
    %eq3A_210 = vector.broadcast %eq3A_209 : i32 to vector<48x16xi32>
    %eq3A_211 = arith.cmpi eq, %iota3A, %eq3A_210 : vector<48x16xi32>
    %jit3A_212 = arith.constant 0.000000e+00 : f32
    %broadcast_in_dim3A_213 = vector.broadcast %jit3A_212 : f32 to vector<48x16xf32>
    %select_n3A_214 = arith.select %eq3A_211, %transpose3A, %broadcast_in_dim3A_213 : vector<48x16xi1>, vector<48x16xf32>
    %reduce_sum3A_215 = arith.constant dense<0.000000e+00> : vector<48xf32>
    %reduce_sum3A_216 = vector.multi_reduction <add>, %select_n3A_214, %reduce_sum3A_215 [1] : vector<48x16xf32> to vector<48xf32>
    %broadcast_in_dim3A_217 = vector.shape_cast %reduce_sum3A_216 : vector<48xf32> to vector<48x1xf32>
    %broadcast_in_dim3A_218 = vector.shape_cast %broadcast_in_dim3A_217 : vector<48x1xf32> to vector<48x1xf32>
    %broadcast_in_dim3A_219 = vector.broadcast %broadcast_in_dim3A_218 : vector<48x1xf32> to vector<48x512xf32>
    %swap3A_220 = arith.constant 0 : index
    %swap3A_221 = arith.constant 0 : index
    %swap3A_222 = arith.constant 6144 : index
    %swap3A_223 = vector.load %arg4[%swap3A_220, %swap3A_221, %swap3A_222] : memref<1x96x8192xf32, #tpu.memory_space<vmem>>, vector<1x48x512xf32>
    %swap3A_224 = vector.shape_cast %swap3A_223 : vector<1x48x512xf32> to vector<48x512xf32>
    %swap3A_225 = vector.shape_cast %broadcast_in_dim3A_219 : vector<48x512xf32> to vector<1x48x512xf32>
    tpu.vector_store %arg4[%swap3A_220, %swap3A_221, %swap3A_222], %swap3A_225 {strides = array<i32>} : memref<1x96x8192xf32, #tpu.memory_space<vmem>>, vector<1x48x512xf32>,
    %eq3A_226 = arith.constant 13 : i32
    %eq3A_227 = vector.broadcast %eq3A_226 : i32 to vector<48x16xi32>
    %eq3A_228 = arith.cmpi eq, %iota3A, %eq3A_227 : vector<48x16xi32>
    %jit3A_229 = arith.constant 0.000000e+00 : f32
    %broadcast_in_dim3A_230 = vector.broadcast %jit3A_229 : f32 to vector<48x16xf32>
    %select_n3A_231 = arith.select %eq3A_228, %transpose3A, %broadcast_in_dim3A_230 : vector<48x16xi1>, vector<48x16xf32>
    %reduce_sum3A_232 = arith.constant dense<0.000000e+00> : vector<48xf32>
    %reduce_sum3A_233 = vector.multi_reduction <add>, %select_n3A_231, %reduce_sum3A_232 [1] : vector<48x16xf32> to vector<48xf32>
    %broadcast_in_dim3A_234 = vector.shape_cast %reduce_sum3A_233 : vector<48xf32> to vector<48x1xf32>
    %broadcast_in_dim3A_235 = vector.shape_cast %broadcast_in_dim3A_234 : vector<48x1xf32> to vector<48x1xf32>
    %broadcast_in_dim3A_236 = vector.broadcast %broadcast_in_dim3A_235 : vector<48x1xf32> to vector<48x512xf32>
    %swap3A_237 = arith.constant 0 : index
    %swap3A_238 = arith.constant 0 : index
    %swap3A_239 = arith.constant 6656 : index
    %swap3A_240 = vector.load %arg4[%swap3A_237, %swap3A_238, %swap3A_239] : memref<1x96x8192xf32, #tpu.memory_space<vmem>>, vector<1x48x512xf32>
    %swap3A_241 = vector.shape_cast %swap3A_240 : vector<1x48x512xf32> to vector<48x512xf32>
    %swap3A_242 = vector.shape_cast %broadcast_in_dim3A_236 : vector<48x512xf32> to vector<1x48x512xf32>
    tpu.vector_store %arg4[%swap3A_237, %swap3A_238, %swap3A_239], %swap3A_242 {strides = array<i32>} : memref<1x96x8192xf32, #tpu.memory_space<vmem>>, vector<1x48x512xf32>,
    %eq3A_243 = arith.constant 14 : i32
    %eq3A_244 = vector.broadcast %eq3A_243 : i32 to vector<48x16xi32>
    %eq3A_245 = arith.cmpi eq, %iota3A, %eq3A_244 : vector<48x16xi32>
    %jit3A_246 = arith.constant 0.000000e+00 : f32
    %broadcast_in_dim3A_247 = vector.broadcast %jit3A_246 : f32 to vector<48x16xf32>
    %select_n3A_248 = arith.select %eq3A_245, %transpose3A, %broadcast_in_dim3A_247 : vector<48x16xi1>, vector<48x16xf32>
    %reduce_sum3A_249 = arith.constant dense<0.000000e+00> : vector<48xf32>
    %reduce_sum3A_250 = vector.multi_reduction <add>, %select_n3A_248, %reduce_sum3A_249 [1] : vector<48x16xf32> to vector<48xf32>
    %broadcast_in_dim3A_251 = vector.shape_cast %reduce_sum3A_250 : vector<48xf32> to vector<48x1xf32>
    %broadcast_in_dim3A_252 = vector.shape_cast %broadcast_in_dim3A_251 : vector<48x1xf32> to vector<48x1xf32>
    %broadcast_in_dim3A_253 = vector.broadcast %broadcast_in_dim3A_252 : vector<48x1xf32> to vector<48x512xf32>
    %swap3A_254 = arith.constant 0 : index
    %swap3A_255 = arith.constant 0 : index
    %swap3A_256 = arith.constant 7168 : index
    %swap3A_257 = vector.load %arg4[%swap3A_254, %swap3A_255, %swap3A_256] : memref<1x96x8192xf32, #tpu.memory_space<vmem>>, vector<1x48x512xf32>
    %swap3A_258 = vector.shape_cast %swap3A_257 : vector<1x48x512xf32> to vector<48x512xf32>
    %swap3A_259 = vector.shape_cast %broadcast_in_dim3A_253 : vector<48x512xf32> to vector<1x48x512xf32>
    tpu.vector_store %arg4[%swap3A_254, %swap3A_255, %swap3A_256], %swap3A_259 {strides = array<i32>} : memref<1x96x8192xf32, #tpu.memory_space<vmem>>, vector<1x48x512xf32>,
    %eq3A_260 = arith.constant 15 : i32
    %eq3A_261 = vector.broadcast %eq3A_260 : i32 to vector<48x16xi32>
    %eq3A_262 = arith.cmpi eq, %iota3A, %eq3A_261 : vector<48x16xi32>
    %jit3A_263 = arith.constant 0.000000e+00 : f32
    %broadcast_in_dim3A_264 = vector.broadcast %jit3A_263 : f32 to vector<48x16xf32>
    %select_n3A_265 = arith.select %eq3A_262, %transpose3A, %broadcast_in_dim3A_264 : vector<48x16xi1>, vector<48x16xf32>
    %reduce_sum3A_266 = arith.constant dense<0.000000e+00> : vector<48xf32>
    %reduce_sum3A_267 = vector.multi_reduction <add>, %select_n3A_265, %reduce_sum3A_266 [1] : vector<48x16xf32> to vector<48xf32>
    %broadcast_in_dim3A_268 = vector.shape_cast %reduce_sum3A_267 : vector<48xf32> to vector<48x1xf32>
    %broadcast_in_dim3A_269 = vector.shape_cast %broadcast_in_dim3A_268 : vector<48x1xf32> to vector<48x1xf32>
    %broadcast_in_dim3A_270 = vector.broadcast %broadcast_in_dim3A_269 : vector<48x1xf32> to vector<48x512xf32>
    %swap3A_271 = arith.constant 0 : index
    %swap3A_272 = arith.constant 0 : index
    %swap3A_273 = arith.constant 7680 : index
    %swap3A_274 = vector.load %arg4[%swap3A_271, %swap3A_272, %swap3A_273] : memref<1x96x8192xf32, #tpu.memory_space<vmem>>, vector<1x48x512xf32>
    %swap3A_275 = vector.shape_cast %swap3A_274 : vector<1x48x512xf32> to vector<48x512xf32>
    %swap3A_276 = vector.shape_cast %broadcast_in_dim3A_270 : vector<48x512xf32> to vector<1x48x512xf32>
    tpu.vector_store %arg4[%swap3A_271, %swap3A_272, %swap3A_273], %swap3A_276 {strides = array<i32>} : memref<1x96x8192xf32, #tpu.memory_space<vmem>>, vector<1x48x512xf32>,
    return
  }
  func.func @transform_0(%arg0: i32, %arg1: i32) -> (i32, i32) {
    %mul3A = arith.constant 4 : i32
    %mul3A_0 = arith.muli %arg0, %mul3A : i32
    %add3A = arith.addi %mul3A_0, %arg1 : i32
    %c0_i32 = arith.constant 0 : i32
    %c0_i32_1 = arith.constant 0 : i32
    return %add3A, %c0_i32 : i32, i32
  }
  func.func @transform_1(%arg0: i32, %arg1: i32) -> (i32, i32) {
    %c0_i32 = arith.constant 0 : i32
    %c0_i32_0 = arith.constant 0 : i32
    %c0_i32_1 = arith.constant 0 : i32
    return %c0_i32, %c0_i32_0 : i32, i32
  }
  func.func @transform_2(%arg0: i32, %arg1: i32) -> (i32, i32, i32) {
    %c0_i32 = arith.constant 0 : i32
    %c0_i32_0 = arith.constant 0 : i32
    return %arg0, %c0_i32, %arg1 : i32, i32, i32
  }
}

</mosaic_0001>

<sc_bundles>
// kernel: kernel.4.cloned.1.call-start
scs
__scs_entry_jumppad:
0x0: {  	(pc) =	sbr.rel $0x88, $3  }
0x1: {  	(tag) =	ssettag $0x0;
	lr =	simm.s32 $0x1  }
0x2: {  	[smem:$0x3F9F] =	sst lr;
	_ =	strace $0xD0000000  }
0x3: {  	_ = 	snop  }
0x4: {  	_ = 	snop  }
0x5: {  	_ = 	snop  }
0x6: {  	_ = 	snop  }
0x7: {  	_ = 	snop  }
__scs_overlays_trampoline_lowered:
0x8: {  	[smem:$0x3FAE] =	sst s0  }
0x9: {  	[smem:$0x3FAF] =	sst s1  }
0xa: {  	[smem:$0x3FB0] =	sst s2  }
0xb: {  	[smem:$0x3FB1] =	sst s3  }
0xc: {  	[smem:$0x3FB2] =	sst s4  }
0xd: {  	[smem:$0x3FB3] =	sst s5  }
0xe: {  	[smem:$0x3FB4] =	sst s6  }
0xf: {  	[smem:$0x3FB5] =	sst s7  }
0x10: {  	[smem:$0x3FB6] =	sst s8  }
0x11: {  	[smem:$0x3FB7] =	sst s9;
	s0 =	simm.s32 @!p0 $0x0  }
0x12: {  	s1 =	sld [smem:$0x3F9D];
	s0 =	simm.s32 @p0 $0x1  }
0x13: {  	[smem:$0x3FB8] =	sst s0;
	s0 =	simm.s32 @!p1 $0x0  }
0x14: {  	s2 =	sld [smem:$0x3F9C];
	s0 =	simm.s32 @p1 $0x1  }
0x15: {  	[smem:$0x3FB9] =	sst s0;
	s0 =	simm.s32 @!p2 $0x0  }
0x16: {  	s3 =	sld [smem:$0x3FDB];
	s0 =	simm.s32 @p2 $0x1  }
0x17: {  	s4 =	simm.s32 $0x1BF5;
	[smem:$0x3FBB] =	sst s0  }
0x18: {  	s0 =	sld [smem:$0x3F9E];
	_ =	swait.ge [sflag:s4], $0x0  }
0x19: {  	s7 =	sld [smem:$0x3F9F]  }
0x1a: {  	s8 =	sadd.s32 $0xFFFFE003, lr  }
0x1b: {  	s9 =	sadd.s32 $0xFFFFFEF7, lr;
	s5 =	simm.s32 $0xFFFFFFFF;
	p2 =	slt.u32 s8, $0xFFFFF086  }
0x1c: {  	p1 =	slt.u32 s9, $0xF7A;
	s5 =	simm.s32 @!p2 $0x0  }
0x1d: {  	s5 =	simm.s32 @p1 $0x1;
	p0 =	seq.s32 s7, s2  }
0x1e: {  	s7 =	smul.u32 @!p0 $0xF7A, s2;
	p2 =	seq.s32 @!p0 s5, $0x0  }
0x1f: {  	s9 =	smul.u32 $0xF7A, s1;
	s8 =	simm.s32 @!p0 $0x1BF5;
	p2 =	por !p2, p0  }
0x20: {  	[sflag:s8] =	ssyncset.s32 @!p0 $0xFFFFF086;
	s6 =	sadd.s32 @!p0 s3, s7;
	s7 =	simm.s32 @!p0 $0x108  }
0x21: {  	s3 =	sadd.s32 s3, s9;
	s6 =	sadd.s32 @!p0 $0x88, s6;
	s7 =	simm.s32 @p2 $0x1082  }
0x22: {  	[simem:s7], [sflag:s8] =	dma.local @!p0 [hbm:s6], $0xF7A  }
0x23: {  	s9 =	sor.u32 $0xD0000000, s2;
	s6 =	simm.s32 $0x108;
	_ =	swait.ge @!p0 [sflag:s8], $0x0  }
0x24: {  	s3 =	sadd.s32 $0x88, s3;
	s6 =	simm.s32 @!p1 $0x1082;
	[sflag:s4] =	ssyncset.s32 $0xFFFFF086  }
0x25: {  	[simem:s6], [sflag:s4] =	dma.local [hbm:s3], $0xF7A  }
0x26: {  	[smem:$0x3F9F] =	sst s1;
	(tag) =	ssettag s2;
	_ =	strace s9  }
0x27: {  	s1 =	sld [smem:$0x3FAF]  }
0x28: {  	s2 =	sld [smem:$0x3FB0]  }
0x29: {  	s4 =	sld [smem:$0x3FB2]  }
0x2a: {  	p0 =	seq.s32 s5, $0x0;
	s5 =	sld [smem:$0x3FB3]  }
0x2b: {  	s6 =	sld [smem:$0x3FB4]  }
0x2c: {  	s7 =	sld [smem:$0x3FB5]  }
0x2d: {  	s3 =	simm.s32 $0x108;
	s8 =	sld [smem:$0x3FB6]  }
0x2e: {  	s3 =	simm.s32 @!p0 $0x1082;
	s9 =	sld [smem:$0x3FB7]  }
0x2f: {  	lr =	sadd.s32 s0, s3;
	s0 =	sld [smem:$0x3FAE]  }
0x30: {  	s3 =	sld [smem:$0x3FB1]  }
0x31: {  	[smem:$0x3FBA] =	sst s10  }
0x32: {  	s10 =	sld [smem:$0x3FB8];
	_ =	sdelay $0x3  }
0x33: {  	p0 =	seq.s32 s10, $0x1;
	s10 =	sld [smem:$0x3FBA];
	_ =	sdelay $0x3  }
0x34: {  	[smem:$0x3FBA] =	sst s10  }
0x35: {  	s10 =	sld [smem:$0x3FB9];
	_ =	sdelay $0x3  }
0x36: {  	p1 =	seq.s32 s10, $0x1;
	s10 =	sld [smem:$0x3FBA];
	_ =	sdelay $0x3  }
0x37: {  	[smem:$0x3FBA] =	sst s10  }
0x38: {  	s10 =	sld [smem:$0x3FBB]  }
0x39: {  	_ = 	snop;
	(pc) =	sbr.ind lr, $3  }
0x3a: {  	_ = 	snop  }
0x3b: {  	_ = 	snop  }
0x3c: {  	p2 =	seq.s32 s10, $0x1;
	s10 =	sld [smem:$0x3FBA]  }
0x3d: {  	_ =	shalt  }
0x3e: {  	_ =	shalt  }
0x3f: {  	_ =	shalt  }
0x40: {  	_ =	shalt  }
0x41: {  	_ =	shalt  }
0x42: {  	_ =	shalt  }
0x43: {  	_ =	shalt  }
0x44: {  	_ =	shalt  }
0x45: {  	_ =	shalt  }
0x46: {  	_ =	shalt  }
0x47: {  	_ =	shalt  }
0x48: {  	_ =	shalt  }
0x49: {  	_ =	shalt  }
0x4a: {  	_ =	shalt  }
0x4b: {  	_ =	shalt  }
0x4c: {  	_ =	shalt  }
0x4d: {  	_ =	shalt  }
0x4e: {  	_ =	shalt  }
0x4f: {  	_ =	shalt  }
0x50: {  	_ =	shalt  }
0x51: {  	_ =	shalt  }
0x52: {  	_ =	shalt  }
0x53: {  	_ =	shalt  }
0x54: {  	_ =	shalt  }
0x55: {  	_ =	shalt  }
0x56: {  	_ =	shalt  }
0x57: {  	_ =	shalt  }
0x58: {  	_ =	shalt  }
0x59: {  	_ =	shalt  }
0x5a: {  	_ =	shalt  }
0x5b: {  	_ =	shalt  }
0x5c: {  	_ =	shalt  }
0x5d: {  	_ =	shalt  }
0x5e: {  	_ =	shalt  }
0x5f: {  	_ =	shalt  }
0x60: {  	_ =	shalt  }
0x61: {  	_ =	shalt  }
0x62: {  	_ =	shalt  }
0x63: {  	_ =	shalt  }
0x64: {  	_ =	shalt  }
0x65: {  	_ =	shalt  }
0x66: {  	_ =	shalt  }
0x67: {  	_ =	shalt  }
0x68: {  	_ =	shalt  }
0x69: {  	_ =	shalt  }
0x6a: {  	_ =	shalt  }
0x6b: {  	_ =	shalt  }
0x6c: {  	_ =	shalt  }
0x6d: {  	_ =	shalt  }
0x6e: {  	_ =	shalt  }
0x6f: {  	_ =	shalt  }
0x70: {  	_ =	shalt  }
0x71: {  	_ =	shalt  }
0x72: {  	_ =	shalt  }
0x73: {  	_ =	shalt  }
0x74: {  	_ =	shalt  }
0x75: {  	_ =	shalt  }
0x76: {  	_ =	shalt  }
0x77: {  	_ =	shalt  }
0x78: {  	_ =	shalt  }
0x79: {  	_ =	shalt  }
0x7a: {  	_ =	shalt  }
0x7b: {  	_ =	shalt  }
0x7c: {  	_ =	shalt  }
0x7d: {  	_ =	shalt  }
0x7e: {  	_ =	shalt  }
0x7f: {  	_ =	shalt  }
0x80: {  	_ =	shalt  }
0x81: {  	_ =	shalt  }
0x82: {  	_ =	shalt  }
0x83: {  	_ =	shalt  }
0x84: {  	_ =	shalt  }
0x85: {  	_ =	shalt  }
0x86: {  	_ =	shalt  }
0x87: {  	_ =	shalt  }
.Lfunc_end0:
.L_simem_size_0:
called_computation_lowered:
.L_overlay_start_0:
0x88: {  	s2 =	sld [smem:$0x3FD9]  }
0x89: {  	s3 =	sld [smem:$0x3FFE];
	_ =	sdelay $0x1  }
0x8a: {  	s1 =	srdreg.scid  }
0x8b: {  	s0 =	sand.u32 $0x1, s1  }
0x8c: {  	s17 =	sshll.u32 s0, $0xA;
	s2 =	sadd.s32 s3, s2  }
0x8d: {  	s2 =	sadd.s32 s2, s17  }
0x8e: {  	[smem:$0x3FC6] =	sst s2  }
0x8f: {  	_ = 	snop  }
0x90: {  	s2 =	sld [smem:$0x3FD0];
	(tm) =	ssettm $0x1  }
0x91: {  	s18 =	sld [smem:$0x3FFB];
	_ =	sdelay $0x3  }
0x92: {  	_ =	strace s18  }
0x93: {  	s3 =	sld [smem:$0x3FFC];
	_ =	sdelay $0x3  }
0x94: {  	_ =	strace s3  }
0x95: {  	s3 =	sld [smem:$0x3FFD];
	_ =	sdelay $0x3  }
0x96: {  	_ =	strace s3  }
0x97: {  	_ =	strace $0x8FFFFFFF  }
0x98: {  	s19 =	sld [smem:$0x3FDB];
	_ =	sdelay $0x1  }
0x99: {  	s4 =	simm.s32 $_scs_section_size  }
0x9a: {  	s5 =	simm.s32 $_size__tile_overlayer_lowered;
	s6 =	simm.s32 $_tile_overlayer_lowered  }
0x9b: {  	s22 =	simm.s32 $0x1BFF;
	s21 =	sshll.u32 s6, $0x1;
	s3 =	sadd.s32 s4, s19  }
0x9c: {  	s7 =	simm.s32 $0x0;
	s20 =	sshll.u32 s5, $0x1;
	s5 =	sadd.s32 s21, s3  }
0x9d: {  	[timem:s7], [sflag:s22] =	dma.local [hbm:s5], s20  }
0x9e: {  	_ =	swait.ge [sflag:s22], s20  }
0x9f: {  	s4 =	ssub.s32 $0x0, s20;
	[sflag:s22] =	ssyncset.done $0x0  }
0xa0: {  	[sflag:s22] =	ssyncadd.s32 s4;
	_ =	sdelay $0x1  }
0xa1: {  	s23 =	simm.s32 $0x1B8B  }
0xa2: {  	_ =	swait.ge [sflag:s23], $0x1  }
0xa3: {  	[sflag:s23] =	ssyncset.done $0x0  }
0xa4: {  	s25 =	simm.s32 $0x1B8E;
	s24 =	sld [smem:$0x3FFE];
	[sflag:s23] =	ssyncadd.s32 $0xFFFFFFFF  }
0xa5: {  	s26 =	simm.s32 $execute0_lowered;
	[smem:$0x3FD2] =	sst s25  }
0xa6: {  	s5 =	sshll.u32 s26, $0x1;
	_ =	strace $0x80000046;
	[dreg:$0x1] =	wrdreg $0xFFFFFFFF  }
0xa7: {  	s28 =	simm.s32 $_size_execute0_lowered;
	s3 =	sadd.s32 s3, s5;
	[dreg:$0x0] =	wrdreg $0x0  }
0xa8: {  	s5 =	sshll.u32 s28, $0x1;
	[dreg:$0x2] =	wrdreg s3  }
0xa9: {  	[dreg:$0x3] =	wrdreg s5  }
0xaa: {  	[dreg:$0x4] =	wrdreg $0xC0  }
0xab: {  	_ =	task [dreg:s7], $0x5FFFF  }
0xac: {  	[dreg:$0x1] =	wrdreg $0xFFFFFFFF  }
0xad: {  	[dreg:$0x0] =	wrdreg $0x60  }
0xae: {  	[dreg:$0x2] =	wrdreg s24  }
0xaf: {  	[dreg:$0x3] =	wrdreg s2  }
0xb0: {  	[dreg:$0x4] =	wrdreg $0x9  }
0xb1: {  	_ =	task.clear_ibuf [dreg:s7], $0x5FFFF;
	_ =	strace $0x90000046  }
0xb2: {  	s29 =	simm.s32 $0x9;
	_ =	strace $0x80000048  }
0xb3: {  	_ =	swait.ge [sflag:s29], $0x1  }
0xb4: {  	[sflag:s29] =	ssyncadd.s32 $0xFFFFFFFF  }
0xb5: {  	_ =	strace $0x90000048  }
0xb6: {  	_ =	sfence  }
0xb7: {  	s30 =	sld [smem:$0x0];
	_ =	sdelay $0x2  }
0xb8: {  	s31 =	sshll.u32 s1, $0xD;
	s1 =	sshrl.u32 s1, $0x2  }
0xb9: {  	s3 =	sand.u32 $0x4000, s31;
	s1 =	sadd.s32 s1, s30  }
0xba: {  	s0 =	sor.u32 s3, s0;
	s1 =	sshll.u32 s1, $0x11  }
0xbb: {  	s0 =	sor.u32 s1, s0  }
0xbc: {  	s0 =	sadd.s32 $0x8F2B, s0  }
0xbd: {  	[sflag:s0] =	ssyncadd.remote.s32 $0x1  }
0xbe: {  	_ =	sfence.sel $0xFFFF  }
0xbf: {  	[dreg:$0x0] =	wrdreg $0xFFFFFFFF;
	(pc) =	sbr.abs _section_cstart, $3  }
0xc0: {  	[dreg:$0x1] =	wrdreg $0xFFFFFFFF  }
0xc1: {  	_ =	task.clear_ibuf [dreg:s7], $0x2FFFF;
	_ =	strace $0x9FFFFFFF  }
0xc2: {  	(tm) =	ssettm $0x7FFFFFFF  }
0xc3: {  	_ =	shalt  }
tec
execute0_lowered:
.L_overlay_start_1:
0x0: {  	(tag) =	ssettag $0x1  }
0x1: {  	s1 =	srdreg.scid  }
0x2: {  	s0 =	stileid.u32;
	s6 =	sand.u32 $0x1, s1  }
0x3: {  	s5 =	rddreg [dreg:$0x0];
	s30 =	sshll.u32 s0, $0x6;
	s2 =	sshll.u32 s6, $0x5  }
0x4: {  	s9 =	rddreg [dreg:$0x1];
	s7 =	simm.s32 $0x80;
	s10 =	sor.u32 s2, s30  }
0x5: {  	s1 =	rddreg [dreg:$0x2];
	s2 =	simm.s32 $0x0;
	s3 =	sshrl.u32 s10, $0x3  }
0x6: {  	s11 =	ssub.s32 $0x2, s6;
	[smem:$0x7FF] =	sst s2;
	s3 =	sadd.s32 s3, s5  }
0x7: {  	_ =	strace $0x80000047;
	s4 =	sadd.s32 $0x800, s3;
	s3 =	simm.s32 $0x2  }
0x8: {  	[tilespmem:s2], [sflag:$0x2] =	stream.linear.gather [hbm4b:s4+s2], $0x20, $0x38;
	[tilespmem:$0x1080] =	vst v63  }
0x9: {  	s8 =	simm.s32 $0x1;
	s12 =	sshrl.u32 s11, $0x1;
	_ =	swait.ge [sflag:s3], $0x20  }
0xa: {  	s6 =	simm.s32 $0x20;
	s11 =	ssub.s32 s11, s12;
	[sflag:s3] =	ssyncset.done $0x0  }
0xb: {  	s5 =	sadd.s32 $0xA00, s5;
	s31 =	smax.u32 s11, $0x1;
	[sflag:s3] =	ssyncadd.s32 $0xFFFFFFE0  }
0xc: {  	[tilespmem:s7], [sflag:$0x1] =	stream.indirect.gather [hbm4b:s5+s6], $0x80, s2, s6, $0xb8;
	[tilespmem:$0x1080] =	vst v63  }
0xd: {  	p0 =	sne.s32 s31, $0x1;
	_ =	swait.ge [sflag:s8], $0x1000  }
.Ltmp0:
0xe: {  	s10 =	sshll.u32 s10, $0x4;
	[sflag:s8] =	ssyncset.done $0x0;
	(pc) =	sbr.rel @!p0 .LBB2_2-.Ltmp0, $4  }
0xf: {  	s9 =	sadd.s32 s9, s10;
	[sflag:s8] =	ssyncadd.s32 $0xFFFFF000  }
0x10: {  	[hbm4b:s9+s2] =	stream.linear.scatter [tilespmem:s7], [sflag:$0x2], $0x1000, $0x38;
	[tilespmem:$0x1080] =	vst v63  }
0x11: {  	_ =	swait.ge [sflag:s3], $0x1000  }
0x12: {  	s10 =	sadd.s32 $0xFFFFFFFF, s31;
	[sflag:s3] =	ssyncset.done $0x0  }
.LBB2_1:
0x13: {  	p0 =	sne.s32 s10, $0x1;
	s10 =	sadd.s32 $0xFFFFFFFF, s10;
	[sflag:s3] =	ssyncadd.s32 $0xFFFFF000  }
0x14: {  	[tilespmem:s2], [sflag:$0x2] =	stream.linear.gather [hbm4b:s4+s2], $0x20, $0x38;
	[tilespmem:$0x1080] =	vst v63  }
0x15: {  	_ =	swait.ge [sflag:s3], $0x20  }
0x16: {  	[sflag:s3] =	ssyncset.done $0x0  }
0x17: {  	[sflag:s3] =	ssyncadd.s32 $0xFFFFFFE0  }
0x18: {  	[tilespmem:s7], [sflag:$0x1] =	stream.indirect.gather [hbm4b:s5+s6], $0x80, s2, s6, $0xb8;
	[tilespmem:$0x1080] =	vst v63  }
0x19: {  	_ =	swait.ge [sflag:s8], $0x1000  }
.Ltmp1:
0x1a: {  	[sflag:s8] =	ssyncset.done $0x0;
	(pc) =	sbr.rel @p0 .LBB2_1-.Ltmp1, $4  }
0x1b: {  	[sflag:s8] =	ssyncadd.s32 $0xFFFFF000  }
0x1c: {  	[hbm4b:s9+s2] =	stream.linear.scatter [tilespmem:s7], [sflag:$0x2], $0x1000, $0x38;
	[tilespmem:$0x1080] =	vst v63  }
0x1d: {  	_ =	swait.ge [sflag:s3], $0x1000  }
0x1e: {  	[sflag:s3] =	ssyncset.done $0x0  }
.LBB2_2:
0x1f: {  	[sflag:s3] =	ssyncadd.s32 $0xFFFFF000  }
0x20: {  	_ =	sfence.sel $0x180000  }
0x21: {  	[bflag:$0x0] =	sbarrier.arrive $0xFFFF  }
0x22: {  	p0 =	sne.s32 s0, $0x0;
	_ =	strace $0x90000047  }
0x23: {  	s0 =	sadd.s32 @!p0 $0x100000, s1;
	[bflag:$0x2] =	sbarrier.arrive $0xFFFF  }
0x24: {  	[sflag:s0] =	ssyncadd.tile.s32 @!p0 $0x1;
	_ =	shalt  }
.Lfunc_end2:
_tile_overlayer_lowered:
.L_overlay_start_2:
0x25: {  	(tag) =	ssettag $0x2  }
0x26: {  	s0 =	rddreg [dreg:$0x0];
	s2 =	stileid.u32  }
0x27: {  	s1 =	rddreg [dreg:$0x1];
	p0 =	sne.s32 s2, $0x0  }
0x28: {  	s3 =	rddreg [dreg:$0x2];
	[bflag:$0x3] =	sbarrier.arrive $0xFFFF;
	s2 =	simm.s32 @!p0 $0x1C02  }
0x29: {  	[timem:s3], [sflag:s2] =	dma.local @!p0 [hbm:s0], s1  }
0x2a: {  	s0 =	simm.s32 @!p0 $0x2  }
0x2b: {  	_ =	swait.ge @!p0 [sflag:s0], s1  }
0x2c: {  	s1 =	ssub.s32 @!p0 $0x0, s1;
	[sflag:s0] =	ssyncset.done @!p0 $0x0  }
0x2d: {  	[sflag:s0] =	ssyncadd.s32 @!p0 s1  }
0x2e: {  	[bflag:$0x3] =	sbarrier.arrive $0xFFFF  }
0x2f: {  	_ =	shalt  }

</sc_bundles>
